<compile_context>
chip_gen: v7x
topology: tpu7x:2x2x1
jax: 0.10.2.dev20260603
libtpu: 0.0.44.dev20260713+nightly
codegen_flags: <defaults>
</compile_context>

<pallas_src>
import functools

import jax
import jax.numpy as jnp
from jax import lax
from jax.experimental import pallas as pl
from jax.experimental.pallas import tpu as pltpu
from jax.experimental.pallas import tpu_sc as plsc

N = 4096
D = 128
DEG = 64
NS = 20
KSC = 256
RPW = KSC // 32


def _sc_gather_body(gidx_hbm, f_hbm, grows_out, idx_v, rows_v, sem):
    c = lax.axis_index("c")
    s = lax.axis_index("s")
    wid = s * 2 + c
    base = wid * RPW
    pltpu.sync_copy(gidx_hbm.at[pl.ds(base, RPW)], idx_v)
    pltpu.async_copy(f_hbm.at[idx_v], rows_v, sem).wait()
    pltpu.sync_copy(rows_v, grows_out.at[pl.ds(base, RPW)])


_sc_gather = functools.partial(
    pl.kernel,
    out_type=jax.ShapeDtypeStruct((KSC, D), jnp.float32),
    mesh=plsc.VectorSubcoreMesh(core_axis_name="c", subcore_axis_name="s"),
    scratch_types=[
        pltpu.VMEM((RPW,), jnp.int32),
        pltpu.VMEM((RPW, D), jnp.float32),
        pltpu.SemaphoreType.DMA,
    ],
)(_sc_gather_body)


def _dyrep_tc_kernel(u_sref, v_sref, f_ref, grows_ref, gidx_ref,
                     srow_u_ref, srow_v_ref,
                     W_h_ref, W_s_ref, W_r_ref, W_t_ref, om_ref, b_ref,
                     dts_ref, scal_ref, lam_ref, ls_ref, out_ref):
    f32 = jnp.float32
    hst = jax.lax.Precision.HIGHEST
    out_ref[:, :] = f_ref[:, :]

    g = grows_ref[:, :]

    u_i = u_sref[0]
    v_i = v_sref[0]
    gidxv = gidx_ref[:, :]
    col = jax.lax.broadcasted_iota(jnp.int32, (2 * DEG, N), 1)
    onehot = (col == gidxv).astype(f32)
    srow_u = srow_u_ref[pl.ds(u_i % 8, 1), :]
    srow_v = srow_v_ref[pl.ds(v_i % 8, 1), :]
    s_u = jnp.sum(onehot[0:DEG] * srow_u, axis=1, keepdims=True)
    s_v = jnp.sum(onehot[DEG:2 * DEG] * srow_v, axis=1, keepdims=True)

    e_u = jnp.exp(s_u)
    q_u = e_u / jnp.sum(e_u)
    e_v = jnp.exp(s_v)
    q_v = e_v / jnp.sum(e_v)

    b_h = b_ref[0:1, :]
    b_struct = b_ref[1:2, :]
    b_rec = b_ref[2:3, :]
    b_t = b_ref[3:4, :]

    h_nbr = jnp.dot(g[0:2 * DEG], W_h_ref[:, :].T,
                    preferred_element_type=f32, precision=hst) + b_h
    h_u_struct = jnp.max(jax.nn.sigmoid(q_u * h_nbr[0:DEG]), axis=0,
                         keepdims=True)
    h_v_struct = jnp.max(jax.nn.sigmoid(q_v * h_nbr[DEG:2 * DEG]), axis=0,
                         keepdims=True)

    base = 2 * DEG + 2 * NS
    fuv = g[base:base + 2]

    hs = jnp.concatenate([h_v_struct, h_u_struct], axis=0)
    zpre = (jnp.dot(hs, W_s_ref[:, :].T, preferred_element_type=f32,
                    precision=hst) + b_struct
            + jnp.dot(fuv, W_r_ref[:, :].T, preferred_element_type=f32,
                      precision=hst) + b_rec
            + jnp.dot(dts_ref[:, :], W_t_ref[:, :].T,
                      preferred_element_type=f32, precision=hst) + b_t)
    z = jax.nn.sigmoid(zpre)

    out_ref[pl.ds(u_i, 1), :] = z[0:1]
    out_ref[pl.ds(v_i, 1), :] = z[1:2]

    om = om_ref[:, :]
    b0 = scal_ref[0:1, 0:1]
    b1 = scal_ref[0:1, 1:2]
    psi0 = scal_ref[0:1, 2:3]
    psi1 = scal_ref[0:1, 3:4]

    proj = jnp.dot(fuv, om.T, preferred_element_type=f32, precision=hst)
    g_lam = proj[0:1, 0:1] + proj[1:2, 1:2] + b0
    lam_ref[:, :] = psi0 * jnp.log1p(jnp.exp(g_lam / psi0))

    srv = g[2 * DEG:2 * DEG + 2 * NS]
    sp = jnp.dot(srv, om.T, preferred_element_type=f32, precision=hst)
    g_u0 = proj[0:1, 0:1] + sp[0:NS, 1:2] + b0
    g_u1 = proj[0:1, 2:3] + sp[0:NS, 3:4] + b1
    g_v0 = sp[NS:2 * NS, 0:1] + proj[1:2, 1:2] + b0
    g_v1 = sp[NS:2 * NS, 2:3] + proj[1:2, 3:4] + b1
    lu = (psi0 * jnp.log1p(jnp.exp(g_u0 / psi0))
          + psi1 * jnp.log1p(jnp.exp(g_u1 / psi1)))
    lv = (psi0 * jnp.log1p(jnp.exp(g_v0 / psi0))
          + psi1 * jnp.log1p(jnp.exp(g_v1 / psi1)))
    ls_ref[:, :] = ((jnp.sum(lu) + jnp.sum(lv)) / float(NS)).reshape(1, 1)


def kernel(f, S, neighbors_u, neighbors_v, surv_u, surv_v, dt_u, dt_v, u, v,
           W_h, b_h, W_struct, b_struct, W_rec, b_rec, W_t, b_t,
           omega0_w, omega0_b, omega1_w, omega1_b, psi):
    f32 = jnp.float32
    u_s = jnp.asarray(u, jnp.int32).reshape(1)
    v_s = jnp.asarray(v, jnp.int32).reshape(1)
    gidx = jnp.concatenate([
        neighbors_u.astype(jnp.int32),
        neighbors_v.astype(jnp.int32),
        surv_u.astype(jnp.int32),
        surv_v.astype(jnp.int32),
        u_s, v_s,
        jnp.zeros((KSC - 2 * DEG - 2 * NS - 2,), jnp.int32),
    ])
    grows = _sc_gather(gidx, f)
    gidx2 = gidx[:2 * DEG].reshape(2 * DEG, 1)

    om = jnp.concatenate([omega0_w, omega1_w]).reshape(4, D)
    biases = jnp.stack([b_h, b_struct, b_rec, b_t], axis=0)
    dts = jnp.stack([dt_u, dt_v], axis=0)
    scal = jnp.stack([jnp.asarray(omega0_b, f32), jnp.asarray(omega1_b, f32),
                      psi[0], psi[1]]).reshape(1, 4)

    def im_const(i, ur, vr):
        return (0, 0)

    grid_spec = pltpu.PrefetchScalarGridSpec(
        num_scalar_prefetch=2,
        grid=(1,),
        in_specs=[
            pl.BlockSpec((N, D), im_const),
            pl.BlockSpec((KSC, D), im_const),
            pl.BlockSpec((2 * DEG, 1), im_const),
            pl.BlockSpec((8, N), lambda i, ur, vr: (ur[0] // 8, 0)),
            pl.BlockSpec((8, N), lambda i, ur, vr: (vr[0] // 8, 0)),
            pl.BlockSpec((D, D), im_const),
            pl.BlockSpec((D, D), im_const),
            pl.BlockSpec((D, D), im_const),
            pl.BlockSpec((D, 4), im_const),
            pl.BlockSpec((4, D), im_const),
            pl.BlockSpec((4, D), im_const),
            pl.BlockSpec((2, 4), im_const),
            pl.BlockSpec((1, 4), im_const),
        ],
        out_specs=[
            pl.BlockSpec((1, 1), im_const),
            pl.BlockSpec((1, 1), im_const),
            pl.BlockSpec((N, D), im_const),
        ],
    )

    lam, ls, z_new = pl.pallas_call(
        _dyrep_tc_kernel,
        grid_spec=grid_spec,
        out_shape=[
            jax.ShapeDtypeStruct((1, 1), f32),
            jax.ShapeDtypeStruct((1, 1), f32),
            jax.ShapeDtypeStruct((N, D), f32),
        ],
    )(u_s, v_s, f, grows, gidx2, S, S, W_h, W_struct, W_rec, W_t, om, biases,
      dts, scal)

    return (lam[0, 0], ls[0, 0], z_new)

# --- scband reference (transcript-rebuilt; emitter-appended) ---
"""Pipeline reference for scband-dy-rep-6133213298857 (READ-ONLY COPY).

The authoritative reference and input builder live on the scoring server;
editing this copy changes nothing except your own understanding.
"""

import jax, jax.numpy as jnp
import numpy as np

N = 4096
D = 128
DEG = 64
NS = 20


def _intensity_batch(hu, hv, w, b, psi):
    cat = jnp.concatenate([hu, hv], axis=-1)
    g = cat @ w + b
    return psi * jnp.log1p(jnp.exp(g / psi))


def _h_struct(f, S, node, neigh, W_h, b_h):
    s_row = S[node][neigh]
    e = jnp.exp(s_row)
    q = e / jnp.sum(e)
    h_i = f[neigh] @ W_h.T + b_h
    q_h = jax.nn.sigmoid(q[:, None] * h_i)
    return jnp.max(q_h, axis=0)


def setup_inputs(seed: int = 0):
    key = jax.random.key(seed)
    ks = jax.random.split(key, 16)
    f = jax.random.normal(ks[0], (N, D), dtype=jnp.float32)
    S = jax.random.uniform(ks[1], (N, N), dtype=jnp.float32)
    neighbors_u = jax.random.randint(ks[2], (DEG,), 0, N)
    neighbors_v = jax.random.randint(ks[3], (DEG,), 0, N)
    surv_u = jax.random.randint(ks[4], (NS,), 0, N)
    surv_v = jax.random.randint(ks[5], (NS,), 0, N)
    dt_u = jax.random.uniform(ks[6], (4,), dtype=jnp.float32)
    dt_v = jax.random.uniform(ks[7], (4,), dtype=jnp.float32)
    W_h = jax.random.normal(ks[8], (D, D), dtype=jnp.float32) * 0.05
    b_h = jnp.zeros((D,), jnp.float32)
    W_struct = jax.random.normal(ks[9], (D, D), dtype=jnp.float32) * 0.05
    b_struct = jnp.zeros((D,), jnp.float32)
    W_rec = jax.random.normal(ks[10], (D, D), dtype=jnp.float32) * 0.05
    b_rec = jnp.zeros((D,), jnp.float32)
    W_t = jax.random.normal(ks[11], (D, 4), dtype=jnp.float32) * 0.05
    b_t = jnp.zeros((D,), jnp.float32)
    omega0_w = jax.random.normal(ks[12], (2 * D,), dtype=jnp.float32) * 0.05
    omega0_b = jnp.zeros((), jnp.float32)
    omega1_w = jax.random.normal(ks[13], (2 * D,), dtype=jnp.float32) * 0.05
    omega1_b = jnp.zeros((), jnp.float32)
    psi = 0.5 * jnp.ones((2,), jnp.float32)
    return {"f": f, "S": S, "neighbors_u": neighbors_u, "neighbors_v": neighbors_v,
            "surv_u": surv_u, "surv_v": surv_v, "dt_u": dt_u, "dt_v": dt_v,
            "u": 0, "v": 1,
            "W_h": W_h, "b_h": b_h, "W_struct": W_struct, "b_struct": b_struct,
            "W_rec": W_rec, "b_rec": b_rec, "W_t": W_t, "b_t": b_t,
            "omega0_w": omega0_w, "omega0_b": omega0_b,
            "omega1_w": omega1_w, "omega1_b": omega1_b, "psi": psi}


def reference(f, S, neighbors_u, neighbors_v, surv_u, surv_v, dt_u, dt_v, u, v,
              W_h, b_h, W_struct, b_struct, W_rec, b_rec, W_t, b_t,
              omega0_w, omega0_b, omega1_w, omega1_b, psi):
    fu = f[u]
    fv = f[v]
    # lambda_t = intensity(f[u], f[v], event_type=0)
    lambda_t = _intensity_batch(fu, fv, omega0_w, omega0_b, psi[0])
    # Survival term: average over N_survive negative samples of both event-type intensities
    hu_rep = jnp.broadcast_to(fu, (surv_u.shape[0], fu.shape[0]))
    hv_rep = jnp.broadcast_to(fv, (surv_v.shape[0], fv.shape[0]))
    others_u = f[surv_u]
    others_v = f[surv_v]
    lu0 = _intensity_batch(hu_rep, others_u, omega0_w, omega0_b, psi[0])
    lu1 = _intensity_batch(hu_rep, others_u, omega1_w, omega1_b, psi[1])
    lv0 = _intensity_batch(others_v, hv_rep, omega0_w, omega0_b, psi[0])
    lv1 = _intensity_batch(others_v, hv_rep, omega1_w, omega1_b, psi[1])
    L_surv = (jnp.sum(lu0 + lu1) + jnp.sum(lv0 + lv1)) / surv_u.shape[0]
    # Structural messages via attention-weighted neighbor aggregation (max pool)
    h_u_struct = _h_struct(f, S, u, neighbors_u, W_h, b_h)
    h_v_struct = _h_struct(f, S, v, neighbors_v, W_h, b_h)
    # Embedding updates z_new[u], z_new[v]
    z_u = jax.nn.sigmoid(h_v_struct @ W_struct.T + b_struct + fu @ W_rec.T + b_rec + dt_u @ W_t.T + b_t)
    z_v = jax.nn.sigmoid(h_u_struct @ W_struct.T + b_struct + fv @ W_rec.T + b_rec + dt_v @ W_t.T + b_t)
    z_new = f.at[u].set(z_u).at[v].set(z_v)
    return (lambda_t, L_surv, z_new)

if __name__ == "__main__":
    import jax
    _d = setup_inputs()
    print(jax.jit(kernel)(*tuple(_d.values())))

</pallas_src>

<mosaic_0001>
#map = affine_map<(d0, d1) -> (0)>
#map1 = affine_map<(d0, d1) -> (0, 0)>
module attributes {stable_mosaic.version = 14 : i64} {
  func.func @_sc_gather_body(%arg0: i32, %arg1: i32, %arg2: memref<256xi32, #tpu.memory_space<hbm>>, %arg3: memref<4096x128xf32, #tpu.memory_space<hbm>>, %arg4: memref<256x128xf32, #tpu.memory_space<hbm>>, %arg5: memref<8xi32, #tpu.memory_space<vmem>>, %arg6: memref<8x128xf32, #tpu.memory_space<vmem>>, %arg7: memref<!tpu.dma_semaphore, #tpu.memory_space<semaphore_mem>>) attributes {dimension_semantics = [#tpu.dimension_semantics<core_parallel>, #tpu.dimension_semantics<subcore_parallel>], iteration_bounds = array<i64: 2, 16>, scalar_prefetch = 0 : i64, scratch_operands = 3 : i64, tpu.core_type = #tpu.core_type<sc_vector_subcore>, window_params = [{transform_indices = #map}, {transform_indices = #map1}, {transform_indices = #map1}]} {
    %mul3A = arith.constant 2 : i32
    %mul3A_0 = arith.muli %arg1, %mul3A : i32
    %add3A = arith.addi %mul3A_0, %arg0 : i32
    %mul3A_1 = arith.constant 8 : i32
    %mul3A_2 = arith.muli %add3A, %mul3A_1 : i32
    "tpu.region"() ({
      %run_scoped3A = tpu.sem_alloc : memref<!tpu.dma_semaphore, #tpu.memory_space<semaphore_mem>>
      %dma_start3A_7 = tpu.memref_slice %arg2[%mul3A_2] : memref<256xi32, #tpu.memory_space<hbm>> -> memref<8xi32, #tpu.memory_space<hbm>>
      %dma_start3A_8 = tpu.memref_slice %arg2[%mul3A_2] : memref<256xi32, #tpu.memory_space<hbm>> -> memref<8xi32, #tpu.memory_space<hbm>>
      tpu.enqueue_dma source(%dma_start3A_8 : memref<8xi32, #tpu.memory_space<hbm>>) target(%arg5 : memref<8xi32, #tpu.memory_space<vmem>>) target_semaphore(%run_scoped3A : memref<!tpu.dma_semaphore, #tpu.memory_space<semaphore_mem>>)
      %dma_wait3A_9 = tpu.memref_slice %arg2[%mul3A_2] : memref<256xi32, #tpu.memory_space<hbm>> -> memref<8xi32, #tpu.memory_space<hbm>>
      %dma_wait3A_10 = tpu.memref_slice %arg2[%mul3A_2] : memref<256xi32, #tpu.memory_space<hbm>> -> memref<8xi32, #tpu.memory_space<hbm>>
      tpu.wait_dma2 semaphore(%run_scoped3A : memref<!tpu.dma_semaphore, #tpu.memory_space<semaphore_mem>>) src(%dma_wait3A_10 : memref<8xi32, #tpu.memory_space<hbm>>) dst(%arg5 : memref<8xi32, #tpu.memory_space<vmem>>)
      tpu.yield
    }) : () -> ()
    %dma_start3A = arith.constant 0 : i32
    %dma_start3A_3 = arith.constant 0 : i32
    %dma_start3A_4 = tpu.memref_slice %arg3[%dma_start3A, %dma_start3A_3] : memref<4096x128xf32, #tpu.memory_space<hbm>> -> memref<4096x128xf32, #tpu.memory_space<hbm>>
    tpu.enqueue_indirect_dma source(%dma_start3A_4 : memref<4096x128xf32, #tpu.memory_space<hbm>>) target(%arg6 : memref<8x128xf32, #tpu.memory_space<vmem>>) offsets(%arg5 : memref<8xi32, #tpu.memory_space<vmem>>) semaphore(%arg7 : memref<!tpu.dma_semaphore, #tpu.memory_space<semaphore_mem>>)
    %dma_wait3A = arith.constant 0 : i32
    %dma_wait3A_5 = arith.constant 0 : i32
    %dma_wait3A_6 = tpu.memref_slice %arg3[%dma_wait3A, %dma_wait3A_5] : memref<4096x128xf32, #tpu.memory_space<hbm>> -> memref<4096x128xf32, #tpu.memory_space<hbm>>
    tpu.wait_indirect_dma semaphore(%arg7 : memref<!tpu.dma_semaphore, #tpu.memory_space<semaphore_mem>>) src(%dma_wait3A_6 : memref<4096x128xf32, #tpu.memory_space<hbm>>) dst(%arg6 : memref<8x128xf32, #tpu.memory_space<vmem>>)
    "tpu.region"() ({
      %run_scoped3A = tpu.sem_alloc : memref<!tpu.dma_semaphore, #tpu.memory_space<semaphore_mem>>
      %dma_start3A_7 = arith.constant 0 : i32
      %dma_start3A_8 = tpu.memref_slice %arg4[%mul3A_2, %dma_start3A_7] : memref<256x128xf32, #tpu.memory_space<hbm>> -> memref<8x128xf32, #tpu.memory_space<hbm>>
      %dma_start3A_9 = arith.constant 0 : i32
      %dma_start3A_10 = tpu.memref_slice %arg4[%mul3A_2, %dma_start3A_9] : memref<256x128xf32, #tpu.memory_space<hbm>> -> memref<8x128xf32, #tpu.memory_space<hbm>>
      tpu.enqueue_dma source(%arg6 : memref<8x128xf32, #tpu.memory_space<vmem>>) target(%dma_start3A_10 : memref<8x128xf32, #tpu.memory_space<hbm>>) target_semaphore(%run_scoped3A : memref<!tpu.dma_semaphore, #tpu.memory_space<semaphore_mem>>)
      %dma_wait3A_11 = arith.constant 0 : i32
      %dma_wait3A_12 = tpu.memref_slice %arg4[%mul3A_2, %dma_wait3A_11] : memref<256x128xf32, #tpu.memory_space<hbm>> -> memref<8x128xf32, #tpu.memory_space<hbm>>
      %dma_wait3A_13 = arith.constant 0 : i32
      %dma_wait3A_14 = tpu.memref_slice %arg4[%mul3A_2, %dma_wait3A_13] : memref<256x128xf32, #tpu.memory_space<hbm>> -> memref<8x128xf32, #tpu.memory_space<hbm>>
      tpu.wait_dma2 semaphore(%run_scoped3A : memref<!tpu.dma_semaphore, #tpu.memory_space<semaphore_mem>>) src(%arg6 : memref<8x128xf32, #tpu.memory_space<vmem>>) dst(%dma_wait3A_14 : memref<8x128xf32, #tpu.memory_space<hbm>>)
      tpu.yield
    }) : () -> ()
    return
  }
}

module attributes {stable_mosaic.version = 14 : i64} {
  func.func @_dyrep_tc_kernel(%arg0: i32, %arg1: memref<1xi32, #tpu.memory_space<smem>>, %arg2: memref<1xi32, #tpu.memory_space<smem>>, %arg3: memref<4096x128xf32, #tpu.memory_space<vmem>>, %arg4: memref<256x128xf32, #tpu.memory_space<vmem>>, %arg5: memref<128x1xi32, #tpu.memory_space<vmem>>, %arg6: memref<8x4096xf32, #tpu.memory_space<vmem>>, %arg7: memref<8x4096xf32, #tpu.memory_space<vmem>>, %arg8: memref<128x128xf32, #tpu.memory_space<vmem>>, %arg9: memref<128x128xf32, #tpu.memory_space<vmem>>, %arg10: memref<128x128xf32, #tpu.memory_space<vmem>>, %arg11: memref<128x4xf32, #tpu.memory_space<vmem>>, %arg12: memref<4x128xf32, #tpu.memory_space<vmem>>, %arg13: memref<4x128xf32, #tpu.memory_space<vmem>>, %arg14: memref<2x4xf32, #tpu.memory_space<vmem>>, %arg15: memref<1x4xf32, #tpu.memory_space<vmem>>, %arg16: memref<1x1xf32, #tpu.memory_space<vmem>>, %arg17: memref<1x1xf32, #tpu.memory_space<vmem>>, %arg18: memref<4096x128xf32, #tpu.memory_space<vmem>>) attributes {dimension_semantics = [#tpu.dimension_semantics<arbitrary>], iteration_bounds = array<i64: 1>, scalar_prefetch = 2 : i64, scratch_operands = 0 : i64, tpu.core_type = #tpu.core_type<tc>, window_params = [{pipeline_mode = #tpu.pipeline_mode<synchronous>, transform_indices = @transform_0, window_bounds = array<i64: 4096, 128>}, {pipeline_mode = #tpu.pipeline_mode<synchronous>, transform_indices = @transform_1, window_bounds = array<i64: 256, 128>}, {pipeline_mode = #tpu.pipeline_mode<synchronous>, transform_indices = @transform_2, window_bounds = array<i64: 128, 1>}, {transform_indices = @transform_3, window_bounds = array<i64: 8, 4096>}, {transform_indices = @transform_4, window_bounds = array<i64: 8, 4096>}, {pipeline_mode = #tpu.pipeline_mode<synchronous>, transform_indices = @transform_5, window_bounds = array<i64: 128, 128>}, {pipeline_mode = #tpu.pipeline_mode<synchronous>, transform_indices = @transform_6, window_bounds = array<i64: 128, 128>}, {pipeline_mode = #tpu.pipeline_mode<synchronous>, transform_indices = @transform_7, window_bounds = array<i64: 128, 128>}, {pipeline_mode = #tpu.pipeline_mode<synchronous>, transform_indices = @transform_8, window_bounds = array<i64: 128, 4>}, {pipeline_mode = #tpu.pipeline_mode<synchronous>, transform_indices = @transform_9, window_bounds = array<i64: 4, 128>}, {pipeline_mode = #tpu.pipeline_mode<synchronous>, transform_indices = @transform_10, window_bounds = array<i64: 4, 128>}, {pipeline_mode = #tpu.pipeline_mode<synchronous>, transform_indices = @transform_11, window_bounds = array<i64: 2, 4>}, {pipeline_mode = #tpu.pipeline_mode<synchronous>, transform_indices = @transform_12, window_bounds = array<i64: 1, 4>}, {pipeline_mode = #tpu.pipeline_mode<synchronous>, transform_indices = @transform_13, window_bounds = array<i64: 1, 1>}, {pipeline_mode = #tpu.pipeline_mode<synchronous>, transform_indices = @transform_14, window_bounds = array<i64: 1, 1>}, {pipeline_mode = #tpu.pipeline_mode<synchronous>, transform_indices = @transform_15, window_bounds = array<i64: 4096, 128>}]} {
    %get3A = arith.constant 0 : index
    %get3A_0 = arith.constant 0 : index
    %get3A_1 = vector.load %arg3[%get3A, %get3A_0] : memref<4096x128xf32, #tpu.memory_space<vmem>>, vector<4096x128xf32>
    %swap3A = arith.constant 0 : index
    %swap3A_2 = arith.constant 0 : index
    %swap3A_3 = vector.load %arg18[%swap3A, %swap3A_2] : memref<4096x128xf32, #tpu.memory_space<vmem>>, vector<4096x128xf32>
    tpu.vector_store %arg18[%swap3A, %swap3A_2], %get3A_1 {strides = array<i32>} : memref<4096x128xf32, #tpu.memory_space<vmem>>, vector<4096x128xf32>,
    %get3A_4 = arith.constant 0 : index
    %get3A_5 = arith.constant 0 : index
    %get3A_6 = vector.load %arg4[%get3A_4, %get3A_5] : memref<256x128xf32, #tpu.memory_space<vmem>>, vector<256x128xf32>
    %get3A_7 = arith.constant 0 : index
    %get3A_8 = memref.load %arg1[%get3A_7] : memref<1xi32, #tpu.memory_space<smem>>
    %get3A_9 = arith.constant 0 : index
    %get3A_10 = memref.load %arg2[%get3A_9] : memref<1xi32, #tpu.memory_space<smem>>
    %get3A_11 = arith.constant 0 : index
    %get3A_12 = arith.constant 0 : index
    %get3A_13 = vector.load %arg5[%get3A_11, %get3A_12] : memref<128x1xi32, #tpu.memory_space<vmem>>, vector<128x1xi32>
    %iota3A = tpu.iota {dimensions = array<i32: 1>} : vector<128x4096xi32>
    %eq3A = vector.broadcast %get3A_13 : vector<128x1xi32> to vector<128x4096xi32>
    %eq3A_14 = arith.cmpi eq, %iota3A, %eq3A : vector<128x4096xi32>
    %convert_element_type3A = arith.extui %eq3A_14 : vector<128x4096xi1> to vector<128x4096xi32>
    %convert_element_type3A_15 = arith.sitofp %convert_element_type3A : vector<128x4096xi32> to vector<128x4096xf32>
    %jit3A = arith.constant 8 : i32
    %eq3A_16 = arith.constant 0 : i32
    %eq3A_17 = arith.cmpi eq, %jit3A, %eq3A_16 : i32
    %jit3A_18 = arith.constant 1 : i32
    %select_n3A = arith.select %eq3A_17, %jit3A_18, %jit3A : i32
    %rem3A = arith.remsi %get3A_8, %select_n3A : i32
    %ne3A = arith.constant 0 : i32
    %ne3A_19 = arith.cmpi ne, %rem3A, %ne3A : i32
    %lt3A = arith.constant 0 : i32
    %lt3A_20 = arith.cmpi slt, %rem3A, %lt3A : i32
    %lt3A_21 = arith.constant 0 : i32
    %lt3A_22 = arith.cmpi slt, %select_n3A, %lt3A_21 : i32
    %ne3A_23 = arith.xori %lt3A_20, %lt3A_22 : i1
    %and3A = arith.andi %ne3A_23, %ne3A_19 : i1
    %add3A = arith.addi %rem3A, %select_n3A : i32
    %select_n3A_24 = arith.select %and3A, %add3A, %rem3A : i32
    %get3A_25 = arith.index_cast %select_n3A_24 : i32 to index
    %get3A_26 = arith.constant 0 : index
    %get3A_27 = vector.load %arg6[%get3A_25, %get3A_26] : memref<8x4096xf32, #tpu.memory_space<vmem>>, vector<1x4096xf32>
    %jit3A_28 = arith.constant 8 : i32
    %eq3A_29 = arith.constant 0 : i32
    %eq3A_30 = arith.cmpi eq, %jit3A_28, %eq3A_29 : i32
    %jit3A_31 = arith.constant 1 : i32
    %select_n3A_32 = arith.select %eq3A_30, %jit3A_31, %jit3A_28 : i32
    %rem3A_33 = arith.remsi %get3A_10, %select_n3A_32 : i32
    %ne3A_34 = arith.constant 0 : i32
    %ne3A_35 = arith.cmpi ne, %rem3A_33, %ne3A_34 : i32
    %lt3A_36 = arith.constant 0 : i32
    %lt3A_37 = arith.cmpi slt, %rem3A_33, %lt3A_36 : i32
    %lt3A_38 = arith.constant 0 : i32
    %lt3A_39 = arith.cmpi slt, %select_n3A_32, %lt3A_38 : i32
    %ne3A_40 = arith.xori %lt3A_37, %lt3A_39 : i1
    %and3A_41 = arith.andi %ne3A_40, %ne3A_35 : i1
    %add3A_42 = arith.addi %rem3A_33, %select_n3A_32 : i32
    %select_n3A_43 = arith.select %and3A_41, %add3A_42, %rem3A_33 : i32
    %get3A_44 = arith.index_cast %select_n3A_43 : i32 to index
    %get3A_45 = arith.constant 0 : index
    %get3A_46 = vector.load %arg7[%get3A_44, %get3A_45] : memref<8x4096xf32, #tpu.memory_space<vmem>>, vector<1x4096xf32>
    %slice3A = vector.extract_strided_slice %convert_element_type3A_15 {offsets = [0, 0], sizes = [64, 4096], strides = [1, 1]} : vector<128x4096xf32> to vector<64x4096xf32>
    %mul3A = vector.broadcast %get3A_27 : vector<1x4096xf32> to vector<64x4096xf32>
    %mul3A_47 = arith.mulf %slice3A, %mul3A : vector<64x4096xf32>
    %reduce_sum3A = arith.constant dense<0.000000e+00> : vector<64xf32>
    %reduce_sum3A_48 = vector.multi_reduction <add>, %mul3A_47, %reduce_sum3A [1] : vector<64x4096xf32> to vector<64xf32>
    %broadcast_in_dim3A = vector.shape_cast %reduce_sum3A_48 : vector<64xf32> to vector<64x1xf32>
    %slice3A_49 = vector.extract_strided_slice %convert_element_type3A_15 {offsets = [64, 0], sizes = [64, 4096], strides = [1, 1]} : vector<128x4096xf32> to vector<64x4096xf32>
    %mul3A_50 = vector.broadcast %get3A_46 : vector<1x4096xf32> to vector<64x4096xf32>
    %mul3A_51 = arith.mulf %slice3A_49, %mul3A_50 : vector<64x4096xf32>
    %reduce_sum3A_52 = arith.constant dense<0.000000e+00> : vector<64xf32>
    %reduce_sum3A_53 = vector.multi_reduction <add>, %mul3A_51, %reduce_sum3A_52 [1] : vector<64x4096xf32> to vector<64xf32>
    %broadcast_in_dim3A_54 = vector.shape_cast %reduce_sum3A_53 : vector<64xf32> to vector<64x1xf32>
    %exp3A = math.exp %broadcast_in_dim3A : vector<64x1xf32>
    %reduce_sum3A_55 = vector.shape_cast %exp3A : vector<64x1xf32> to vector<1x64x1xf32>
    %reduce_sum3A_56 = arith.constant dense<0.000000e+00> : vector<1xf32>
    %reduce_sum3A_57 = vector.multi_reduction <add>, %reduce_sum3A_55, %reduce_sum3A_56 [1, 2] : vector<1x64x1xf32> to vector<1xf32>
    %reduce_sum3A_58 = vector.shape_cast %reduce_sum3A_57 : vector<1xf32> to vector<1x1x1xf32>
    %reduce_sum3A_59 = vector.extract %reduce_sum3A_58[0, 0, 0] : f32 from vector<1x1x1xf32>
    %div3A = vector.broadcast %reduce_sum3A_59 : f32 to vector<64x1xf32>
    %div3A_60 = arith.divf %exp3A, %div3A : vector<64x1xf32>
    %exp3A_61 = math.exp %broadcast_in_dim3A_54 : vector<64x1xf32>
    %reduce_sum3A_62 = vector.shape_cast %exp3A_61 : vector<64x1xf32> to vector<1x64x1xf32>
    %reduce_sum3A_63 = arith.constant dense<0.000000e+00> : vector<1xf32>
    %reduce_sum3A_64 = vector.multi_reduction <add>, %reduce_sum3A_62, %reduce_sum3A_63 [1, 2] : vector<1x64x1xf32> to vector<1xf32>
    %reduce_sum3A_65 = vector.shape_cast %reduce_sum3A_64 : vector<1xf32> to vector<1x1x1xf32>
    %reduce_sum3A_66 = vector.extract %reduce_sum3A_65[0, 0, 0] : f32 from vector<1x1x1xf32>
    %div3A_67 = vector.broadcast %reduce_sum3A_66 : f32 to vector<64x1xf32>
    %div3A_68 = arith.divf %exp3A_61, %div3A_67 : vector<64x1xf32>
    %get3A_69 = arith.constant 0 : index
    %get3A_70 = arith.constant 0 : index
    %get3A_71 = vector.load %arg13[%get3A_69, %get3A_70] : memref<4x128xf32, #tpu.memory_space<vmem>>, vector<1x128xf32>
    %get3A_72 = arith.constant 1 : index
    %get3A_73 = arith.constant 0 : index
    %get3A_74 = vector.load %arg13[%get3A_72, %get3A_73] : memref<4x128xf32, #tpu.memory_space<vmem>>, vector<1x128xf32>
    %get3A_75 = arith.constant 2 : index
    %get3A_76 = arith.constant 0 : index
    %get3A_77 = vector.load %arg13[%get3A_75, %get3A_76] : memref<4x128xf32, #tpu.memory_space<vmem>>, vector<1x128xf32>
    %get3A_78 = arith.constant 3 : index
    %get3A_79 = arith.constant 0 : index
    %get3A_80 = vector.load %arg13[%get3A_78, %get3A_79] : memref<4x128xf32, #tpu.memory_space<vmem>>, vector<1x128xf32>
    %slice3A_81 = vector.extract_strided_slice %get3A_6 {offsets = [0, 0], sizes = [128, 128], strides = [1, 1]} : vector<256x128xf32> to vector<128x128xf32>
    %get3A_82 = arith.constant 0 : index
    %get3A_83 = arith.constant 0 : index
    %get3A_84 = vector.load %arg8[%get3A_82, %get3A_83] : memref<128x128xf32, #tpu.memory_space<vmem>>, vector<128x128xf32>
    %transpose3A = tpu.transpose %get3A_84, [1, 0] : vector<128x128xf32> -> vector<128x128xf32>
    %dot_general3A = arith.constant dense<0.000000e+00> : vector<128x128xf32>
    %dot_general3A_85 = tpu.matmul %slice3A_81, %transpose3A, %dot_general3A {dimension_numbers = #tpu.dot_dimension_numbers<[1], [0], [0], [1], [0, 0, 1, 1], [], []>, precision = #tpu.contract_precision<fp32>, transpose_lhs_hint = false} : vector<128x128xf32>, vector<128x128xf32>, vector<128x128xf32> -> vector<128x128xf32>
    %add3A_86 = vector.broadcast %get3A_71 : vector<1x128xf32> to vector<128x128xf32>
    %add3A_87 = arith.addf %dot_general3A_85, %add3A_86 : vector<128x128xf32>
    %slice3A_88 = vector.extract_strided_slice %add3A_87 {offsets = [0, 0], sizes = [64, 128], strides = [1, 1]} : vector<128x128xf32> to vector<64x128xf32>
    %mul3A_89 = vector.broadcast %div3A_60 : vector<64x1xf32> to vector<64x128xf32>
    %mul3A_90 = arith.mulf %mul3A_89, %slice3A_88 : vector<64x128xf32>
    %logistic3A = arith.negf %mul3A_90 : vector<64x128xf32>
    %logistic3A_91 = math.exp %logistic3A : vector<64x128xf32>
    %logistic3A_92 = arith.constant 1.000000e+00 : f32
    %logistic3A_93 = vector.broadcast %logistic3A_92 : f32 to vector<64x128xf32>
    %logistic3A_94 = arith.addf %logistic3A_93, %logistic3A_91 : vector<64x128xf32>
    %logistic3A_95 = arith.divf %logistic3A_93, %logistic3A_94 : vector<64x128xf32>
    %reduce_max3A = arith.constant dense<0xFF800000> : vector<128xf32>
    %reduce_max3A_96 = vector.multi_reduction <maximumf>, %logistic3A_95, %reduce_max3A [0] : vector<64x128xf32> to vector<128xf32>
    %broadcast_in_dim3A_97 = vector.shape_cast %reduce_max3A_96 : vector<128xf32> to vector<1x128xf32>
    %slice3A_98 = vector.extract_strided_slice %add3A_87 {offsets = [64, 0], sizes = [64, 128], strides = [1, 1]} : vector<128x128xf32> to vector<64x128xf32>
    %mul3A_99 = vector.broadcast %div3A_68 : vector<64x1xf32> to vector<64x128xf32>
    %mul3A_100 = arith.mulf %mul3A_99, %slice3A_98 : vector<64x128xf32>
    %logistic3A_101 = arith.negf %mul3A_100 : vector<64x128xf32>
    %logistic3A_102 = math.exp %logistic3A_101 : vector<64x128xf32>
    %logistic3A_103 = arith.constant 1.000000e+00 : f32
    %logistic3A_104 = vector.broadcast %logistic3A_103 : f32 to vector<64x128xf32>
    %logistic3A_105 = arith.addf %logistic3A_104, %logistic3A_102 : vector<64x128xf32>
    %logistic3A_106 = arith.divf %logistic3A_104, %logistic3A_105 : vector<64x128xf32>
    %reduce_max3A_107 = arith.constant dense<0xFF800000> : vector<128xf32>
    %reduce_max3A_108 = vector.multi_reduction <maximumf>, %logistic3A_106, %reduce_max3A_107 [0] : vector<64x128xf32> to vector<128xf32>
    %broadcast_in_dim3A_109 = vector.shape_cast %reduce_max3A_108 : vector<128xf32> to vector<1x128xf32>
    %slice3A_110 = vector.extract_strided_slice %get3A_6 {offsets = [168, 0], sizes = [2, 128], strides = [1, 1]} : vector<256x128xf32> to vector<2x128xf32>
    %concatenate3A = tpu.concatenate %broadcast_in_dim3A_109, %broadcast_in_dim3A_97 in 0 : vector<1x128xf32>, vector<1x128xf32> -> vector<2x128xf32>
    %get3A_111 = arith.constant 0 : index
    %get3A_112 = arith.constant 0 : index
    %get3A_113 = vector.load %arg9[%get3A_111, %get3A_112] : memref<128x128xf32, #tpu.memory_space<vmem>>, vector<128x128xf32>
    %transpose3A_114 = tpu.transpose %get3A_113, [1, 0] : vector<128x128xf32> -> vector<128x128xf32>
    %dot_general3A_115 = arith.constant dense<0.000000e+00> : vector<2x128xf32>
    %dot_general3A_116 = tpu.matmul %concatenate3A, %transpose3A_114, %dot_general3A_115 {dimension_numbers = #tpu.dot_dimension_numbers<[1], [0], [0], [1], [0, 0, 1, 1], [], []>, precision = #tpu.contract_precision<fp32>, transpose_lhs_hint = false} : vector<2x128xf32>, vector<128x128xf32>, vector<2x128xf32> -> vector<2x128xf32>
    %add3A_117 = vector.broadcast %get3A_74 : vector<1x128xf32> to vector<2x128xf32>
    %add3A_118 = arith.addf %dot_general3A_116, %add3A_117 : vector<2x128xf32>
    %get3A_119 = arith.constant 0 : index
    %get3A_120 = arith.constant 0 : index
    %get3A_121 = vector.load %arg10[%get3A_119, %get3A_120] : memref<128x128xf32, #tpu.memory_space<vmem>>, vector<128x128xf32>
    %transpose3A_122 = tpu.transpose %get3A_121, [1, 0] : vector<128x128xf32> -> vector<128x128xf32>
    %dot_general3A_123 = arith.constant dense<0.000000e+00> : vector<2x128xf32>
    %dot_general3A_124 = tpu.matmul %slice3A_110, %transpose3A_122, %dot_general3A_123 {dimension_numbers = #tpu.dot_dimension_numbers<[1], [0], [0], [1], [0, 0, 1, 1], [], []>, precision = #tpu.contract_precision<fp32>, transpose_lhs_hint = false} : vector<2x128xf32>, vector<128x128xf32>, vector<2x128xf32> -> vector<2x128xf32>
    %add3A_125 = arith.addf %add3A_118, %dot_general3A_124 : vector<2x128xf32>
    %add3A_126 = vector.broadcast %get3A_77 : vector<1x128xf32> to vector<2x128xf32>
    %add3A_127 = arith.addf %add3A_125, %add3A_126 : vector<2x128xf32>
    %get3A_128 = arith.constant 0 : index
    %get3A_129 = arith.constant 0 : index
    %get3A_130 = vector.load %arg14[%get3A_128, %get3A_129] : memref<2x4xf32, #tpu.memory_space<vmem>>, vector<2x4xf32>
    %get3A_131 = arith.constant 0 : index
    %get3A_132 = arith.constant 0 : index
    %get3A_133 = vector.load %arg11[%get3A_131, %get3A_132] : memref<128x4xf32, #tpu.memory_space<vmem>>, vector<128x4xf32>
    %transpose3A_134 = tpu.transpose %get3A_133, [1, 0] : vector<128x4xf32> -> vector<4x128xf32>
    %dot_general3A_135 = arith.constant dense<0.000000e+00> : vector<2x128xf32>
    %dot_general3A_136 = tpu.matmul %get3A_130, %transpose3A_134, %dot_general3A_135 {dimension_numbers = #tpu.dot_dimension_numbers<[1], [0], [0], [1], [0, 0, 1, 1], [], []>, precision = #tpu.contract_precision<fp32>, transpose_lhs_hint = false} : vector<2x4xf32>, vector<4x128xf32>, vector<2x128xf32> -> vector<2x128xf32>
    %add3A_137 = arith.addf %add3A_127, %dot_general3A_136 : vector<2x128xf32>
    %add3A_138 = vector.broadcast %get3A_80 : vector<1x128xf32> to vector<2x128xf32>
    %add3A_139 = arith.addf %add3A_137, %add3A_138 : vector<2x128xf32>
    %logistic3A_140 = arith.negf %add3A_139 : vector<2x128xf32>
    %logistic3A_141 = math.exp %logistic3A_140 : vector<2x128xf32>
    %logistic3A_142 = arith.constant 1.000000e+00 : f32
    %logistic3A_143 = vector.broadcast %logistic3A_142 : f32 to vector<2x128xf32>
    %logistic3A_144 = arith.addf %logistic3A_143, %logistic3A_141 : vector<2x128xf32>
    %logistic3A_145 = arith.divf %logistic3A_143, %logistic3A_144 : vector<2x128xf32>
    %slice3A_146 = vector.extract_strided_slice %logistic3A_145 {offsets = [0, 0], sizes = [1, 128], strides = [1, 1]} : vector<2x128xf32> to vector<1x128xf32>
    %swap3A_147 = arith.index_cast %get3A_8 : i32 to index
    %swap3A_148 = arith.constant 0 : index
    %swap3A_149 = vector.load %arg18[%swap3A_147, %swap3A_148] : memref<4096x128xf32, #tpu.memory_space<vmem>>, vector<1x128xf32>
    tpu.vector_store %arg18[%swap3A_147, %swap3A_148], %slice3A_146 {strides = array<i32>} : memref<4096x128xf32, #tpu.memory_space<vmem>>, vector<1x128xf32>,
    %slice3A_150 = vector.extract_strided_slice %logistic3A_145 {offsets = [1, 0], sizes = [1, 128], strides = [1, 1]} : vector<2x128xf32> to vector<1x128xf32>
    %swap3A_151 = arith.index_cast %get3A_10 : i32 to index
    %swap3A_152 = arith.constant 0 : index
    %swap3A_153 = vector.load %arg18[%swap3A_151, %swap3A_152] : memref<4096x128xf32, #tpu.memory_space<vmem>>, vector<1x128xf32>
    tpu.vector_store %arg18[%swap3A_151, %swap3A_152], %slice3A_150 {strides = array<i32>} : memref<4096x128xf32, #tpu.memory_space<vmem>>, vector<1x128xf32>,
    %get3A_154 = arith.constant 0 : index
    %get3A_155 = arith.constant 0 : index
    %get3A_156 = vector.load %arg12[%get3A_154, %get3A_155] : memref<4x128xf32, #tpu.memory_space<vmem>>, vector<4x128xf32>
    %get3A_157 = arith.constant 0 : index
    %get3A_158 = arith.constant 0 : index
    %get3A_159 = vector.load %arg15[%get3A_157, %get3A_158] : memref<1x4xf32, #tpu.memory_space<vmem>>, vector<1x1xf32>
    %get3A_160 = arith.constant 0 : index
    %get3A_161 = arith.constant 1 : index
    %get3A_162 = vector.load %arg15[%get3A_160, %get3A_161] : memref<1x4xf32, #tpu.memory_space<vmem>>, vector<1x1xf32>
    %get3A_163 = arith.constant 0 : index
    %get3A_164 = arith.constant 2 : index
    %get3A_165 = vector.load %arg15[%get3A_163, %get3A_164] : memref<1x4xf32, #tpu.memory_space<vmem>>, vector<1x1xf32>
    %get3A_166 = arith.constant 0 : index
    %get3A_167 = arith.constant 3 : index
    %get3A_168 = vector.load %arg15[%get3A_166, %get3A_167] : memref<1x4xf32, #tpu.memory_space<vmem>>, vector<1x1xf32>
    %transpose3A_169 = tpu.transpose %get3A_156, [1, 0] : vector<4x128xf32> -> vector<128x4xf32>
    %dot_general3A_170 = arith.constant dense<0.000000e+00> : vector<2x4xf32>
    %dot_general3A_171 = tpu.matmul %slice3A_110, %transpose3A_169, %dot_general3A_170 {dimension_numbers = #tpu.dot_dimension_numbers<[1], [0], [0], [1], [0, 0, 1, 1], [], []>, precision = #tpu.contract_precision<fp32>, transpose_lhs_hint = false} : vector<2x128xf32>, vector<128x4xf32>, vector<2x4xf32> -> vector<2x4xf32>
    %slice3A_172 = vector.extract_strided_slice %dot_general3A_171 {offsets = [0, 0], sizes = [1, 1], strides = [1, 1]} : vector<2x4xf32> to vector<1x1xf32>
    %slice3A_173 = vector.extract_strided_slice %dot_general3A_171 {offsets = [1, 1], sizes = [1, 1], strides = [1, 1]} : vector<2x4xf32> to vector<1x1xf32>
    %add3A_174 = arith.addf %slice3A_172, %slice3A_173 : vector<1x1xf32>
    %add3A_175 = arith.addf %add3A_174, %get3A_159 : vector<1x1xf32>
    %div3A_176 = arith.divf %add3A_175, %get3A_165 : vector<1x1xf32>
    %exp3A_177 = math.exp %div3A_176 : vector<1x1xf32>
    %log1p3A = math.log1p %exp3A_177 : vector<1x1xf32>
    %mul3A_178 = arith.mulf %get3A_165, %log1p3A : vector<1x1xf32>
    %swap3A_179 = arith.constant 0 : index
    %swap3A_180 = arith.constant 0 : index
    %swap3A_181 = vector.load %arg16[%swap3A_179, %swap3A_180] : memref<1x1xf32, #tpu.memory_space<vmem>>, vector<1x1xf32>
    tpu.vector_store %arg16[%swap3A_179, %swap3A_180], %mul3A_178 {strides = array<i32>} : memref<1x1xf32, #tpu.memory_space<vmem>>, vector<1x1xf32>,
    %slice3A_182 = vector.extract_strided_slice %get3A_6 {offsets = [128, 0], sizes = [40, 128], strides = [1, 1]} : vector<256x128xf32> to vector<40x128xf32>
    %transpose3A_183 = tpu.transpose %get3A_156, [1, 0] : vector<4x128xf32> -> vector<128x4xf32>
    %dot_general3A_184 = arith.constant dense<0.000000e+00> : vector<40x4xf32>
    %dot_general3A_185 = tpu.matmul %slice3A_182, %transpose3A_183, %dot_general3A_184 {dimension_numbers = #tpu.dot_dimension_numbers<[1], [0], [0], [1], [0, 0, 1, 1], [], []>, precision = #tpu.contract_precision<fp32>, transpose_lhs_hint = false} : vector<40x128xf32>, vector<128x4xf32>, vector<40x4xf32> -> vector<40x4xf32>
    %slice3A_186 = vector.extract_strided_slice %dot_general3A_171 {offsets = [0, 0], sizes = [1, 1], strides = [1, 1]} : vector<2x4xf32> to vector<1x1xf32>
    %slice3A_187 = vector.extract_strided_slice %dot_general3A_185 {offsets = [0, 1], sizes = [20, 1], strides = [1, 1]} : vector<40x4xf32> to vector<20x1xf32>
    %add3A_188 = vector.broadcast %slice3A_186 : vector<1x1xf32> to vector<20x1xf32>
    %add3A_189 = arith.addf %add3A_188, %slice3A_187 : vector<20x1xf32>
    %add3A_190 = vector.broadcast %get3A_159 : vector<1x1xf32> to vector<20x1xf32>
    %add3A_191 = arith.addf %add3A_189, %add3A_190 : vector<20x1xf32>
    %slice3A_192 = vector.extract_strided_slice %dot_general3A_171 {offsets = [0, 2], sizes = [1, 1], strides = [1, 1]} : vector<2x4xf32> to vector<1x1xf32>
    %slice3A_193 = vector.extract_strided_slice %dot_general3A_185 {offsets = [0, 3], sizes = [20, 1], strides = [1, 1]} : vector<40x4xf32> to vector<20x1xf32>
    %add3A_194 = vector.broadcast %slice3A_192 : vector<1x1xf32> to vector<20x1xf32>
    %add3A_195 = arith.addf %add3A_194, %slice3A_193 : vector<20x1xf32>
    %add3A_196 = vector.broadcast %get3A_162 : vector<1x1xf32> to vector<20x1xf32>
    %add3A_197 = arith.addf %add3A_195, %add3A_196 : vector<20x1xf32>
    %slice3A_198 = vector.extract_strided_slice %dot_general3A_185 {offsets = [20, 0], sizes = [20, 1], strides = [1, 1]} : vector<40x4xf32> to vector<20x1xf32>
    %slice3A_199 = vector.extract_strided_slice %dot_general3A_171 {offsets = [1, 1], sizes = [1, 1], strides = [1, 1]} : vector<2x4xf32> to vector<1x1xf32>
    %add3A_200 = vector.broadcast %slice3A_199 : vector<1x1xf32> to vector<20x1xf32>
    %add3A_201 = arith.addf %slice3A_198, %add3A_200 : vector<20x1xf32>
    %add3A_202 = vector.broadcast %get3A_159 : vector<1x1xf32> to vector<20x1xf32>
    %add3A_203 = arith.addf %add3A_201, %add3A_202 : vector<20x1xf32>
    %slice3A_204 = vector.extract_strided_slice %dot_general3A_185 {offsets = [20, 2], sizes = [20, 1], strides = [1, 1]} : vector<40x4xf32> to vector<20x1xf32>
    %slice3A_205 = vector.extract_strided_slice %dot_general3A_171 {offsets = [1, 3], sizes = [1, 1], strides = [1, 1]} : vector<2x4xf32> to vector<1x1xf32>
    %add3A_206 = vector.broadcast %slice3A_205 : vector<1x1xf32> to vector<20x1xf32>
    %add3A_207 = arith.addf %slice3A_204, %add3A_206 : vector<20x1xf32>
    %add3A_208 = vector.broadcast %get3A_162 : vector<1x1xf32> to vector<20x1xf32>
    %add3A_209 = arith.addf %add3A_207, %add3A_208 : vector<20x1xf32>
    %div3A_210 = vector.broadcast %get3A_165 : vector<1x1xf32> to vector<20x1xf32>
    %div3A_211 = arith.divf %add3A_191, %div3A_210 : vector<20x1xf32>
    %exp3A_212 = math.exp %div3A_211 : vector<20x1xf32>
    %log1p3A_213 = math.log1p %exp3A_212 : vector<20x1xf32>
    %mul3A_214 = vector.broadcast %get3A_165 : vector<1x1xf32> to vector<20x1xf32>
    %mul3A_215 = arith.mulf %mul3A_214, %log1p3A_213 : vector<20x1xf32>
    %div3A_216 = vector.broadcast %get3A_168 : vector<1x1xf32> to vector<20x1xf32>
    %div3A_217 = arith.divf %add3A_197, %div3A_216 : vector<20x1xf32>
    %exp3A_218 = math.exp %div3A_217 : vector<20x1xf32>
    %log1p3A_219 = math.log1p %exp3A_218 : vector<20x1xf32>
    %mul3A_220 = vector.broadcast %get3A_168 : vector<1x1xf32> to vector<20x1xf32>
    %mul3A_221 = arith.mulf %mul3A_220, %log1p3A_219 : vector<20x1xf32>
    %add3A_222 = arith.addf %mul3A_215, %mul3A_221 : vector<20x1xf32>
    %div3A_223 = vector.broadcast %get3A_165 : vector<1x1xf32> to vector<20x1xf32>
    %div3A_224 = arith.divf %add3A_203, %div3A_223 : vector<20x1xf32>
    %exp3A_225 = math.exp %div3A_224 : vector<20x1xf32>
    %log1p3A_226 = math.log1p %exp3A_225 : vector<20x1xf32>
    %mul3A_227 = vector.broadcast %get3A_165 : vector<1x1xf32> to vector<20x1xf32>
    %mul3A_228 = arith.mulf %mul3A_227, %log1p3A_226 : vector<20x1xf32>
    %div3A_229 = vector.broadcast %get3A_168 : vector<1x1xf32> to vector<20x1xf32>
    %div3A_230 = arith.divf %add3A_209, %div3A_229 : vector<20x1xf32>
    %exp3A_231 = math.exp %div3A_230 : vector<20x1xf32>
    %log1p3A_232 = math.log1p %exp3A_231 : vector<20x1xf32>
    %mul3A_233 = vector.broadcast %get3A_168 : vector<1x1xf32> to vector<20x1xf32>
    %mul3A_234 = arith.mulf %mul3A_233, %log1p3A_232 : vector<20x1xf32>
    %add3A_235 = arith.addf %mul3A_228, %mul3A_234 : vector<20x1xf32>
    %reduce_sum3A_236 = vector.shape_cast %add3A_222 : vector<20x1xf32> to vector<1x20x1xf32>
    %reduce_sum3A_237 = arith.constant dense<0.000000e+00> : vector<1xf32>
    %reduce_sum3A_238 = vector.multi_reduction <add>, %reduce_sum3A_236, %reduce_sum3A_237 [1, 2] : vector<1x20x1xf32> to vector<1xf32>
    %reduce_sum3A_239 = vector.shape_cast %reduce_sum3A_238 : vector<1xf32> to vector<1x1x1xf32>
    %reduce_sum3A_240 = vector.extract %reduce_sum3A_239[0, 0, 0] : f32 from vector<1x1x1xf32>
    %reduce_sum3A_241 = vector.shape_cast %add3A_235 : vector<20x1xf32> to vector<1x20x1xf32>
    %reduce_sum3A_242 = arith.constant dense<0.000000e+00> : vector<1xf32>
    %reduce_sum3A_243 = vector.multi_reduction <add>, %reduce_sum3A_241, %reduce_sum3A_242 [1, 2] : vector<1x20x1xf32> to vector<1xf32>
    %reduce_sum3A_244 = vector.shape_cast %reduce_sum3A_243 : vector<1xf32> to vector<1x1x1xf32>
    %reduce_sum3A_245 = vector.extract %reduce_sum3A_244[0, 0, 0] : f32 from vector<1x1x1xf32>
    %add3A_246 = arith.addf %reduce_sum3A_240, %reduce_sum3A_245 : f32
    %div3A_247 = arith.constant 2.000000e+01 : f32
    %div3A_248 = arith.divf %add3A_246, %div3A_247 : f32
    %reshape3A = vector.broadcast %div3A_248 : f32 to vector<1x1xf32>
    %swap3A_249 = arith.constant 0 : index
    %swap3A_250 = arith.constant 0 : index
    %swap3A_251 = vector.load %arg17[%swap3A_249, %swap3A_250] : memref<1x1xf32, #tpu.memory_space<vmem>>, vector<1x1xf32>
    tpu.vector_store %arg17[%swap3A_249, %swap3A_250], %reshape3A {strides = array<i32>} : memref<1x1xf32, #tpu.memory_space<vmem>>, vector<1x1xf32>,
    return
  }
  func.func @transform_0(%arg0: i32, %arg1: memref<1xi32, #tpu.memory_space<smem>>, %arg2: memref<1xi32, #tpu.memory_space<smem>>) -> (i32, i32) {
    %c0_i32 = arith.constant 0 : i32
    %c0_i32_0 = arith.constant 0 : i32
    %c0_i32_1 = arith.constant 0 : i32
    return %c0_i32, %c0_i32_0 : i32, i32
  }
  func.func @transform_1(%arg0: i32, %arg1: memref<1xi32, #tpu.memory_space<smem>>, %arg2: memref<1xi32, #tpu.memory_space<smem>>) -> (i32, i32) {
    %c0_i32 = arith.constant 0 : i32
    %c0_i32_0 = arith.constant 0 : i32
    %c0_i32_1 = arith.constant 0 : i32
    return %c0_i32, %c0_i32_0 : i32, i32
  }
  func.func @transform_2(%arg0: i32, %arg1: memref<1xi32, #tpu.memory_space<smem>>, %arg2: memref<1xi32, #tpu.memory_space<smem>>) -> (i32, i32) {
    %c0_i32 = arith.constant 0 : i32
    %c0_i32_0 = arith.constant 0 : i32
    %c0_i32_1 = arith.constant 0 : i32
    return %c0_i32, %c0_i32_0 : i32, i32
  }
  func.func @transform_3(%arg0: i32, %arg1: memref<1xi32, #tpu.memory_space<smem>>, %arg2: memref<1xi32, #tpu.memory_space<smem>>) -> (i32, i32) {
    %get3A = arith.constant 0 : index
    %get3A_0 = memref.load %arg1[%get3A] : memref<1xi32, #tpu.memory_space<smem>>
    %jit3A = arith.constant 8 : i32
    %div3A = arith.divsi %get3A_0, %jit3A : i32
    %sign3A = arith.constant 0 : i32
    %sign3A_1 = arith.cmpi sgt, %get3A_0, %sign3A : i32
    %sign3A_2 = arith.extui %sign3A_1 : i1 to i32
    %sign3A_3 = arith.constant 0 : i32
    %sign3A_4 = arith.cmpi slt, %get3A_0, %sign3A_3 : i32
    %sign3A_5 = arith.extui %sign3A_4 : i1 to i32
    %sign3A_6 = arith.subi %sign3A_2, %sign3A_5 : i32
    %sign3A_7 = arith.constant 0 : i32
    %sign3A_8 = arith.cmpi sgt, %jit3A, %sign3A_7 : i32
    %sign3A_9 = arith.extui %sign3A_8 : i1 to i32
    %sign3A_10 = arith.constant 0 : i32
    %sign3A_11 = arith.cmpi slt, %jit3A, %sign3A_10 : i32
    %sign3A_12 = arith.extui %sign3A_11 : i1 to i32
    %sign3A_13 = arith.subi %sign3A_9, %sign3A_12 : i32
    %ne3A = arith.cmpi ne, %sign3A_6, %sign3A_13 : i32
    %rem3A = arith.remsi %get3A_0, %jit3A : i32
    %ne3A_14 = arith.constant 0 : i32
    %ne3A_15 = arith.cmpi ne, %rem3A, %ne3A_14 : i32
    %and3A = arith.andi %ne3A, %ne3A_15 : i1
    %sub3A = arith.constant 1 : i32
    %sub3A_16 = arith.subi %div3A, %sub3A : i32
    %select_n3A = arith.select %and3A, %sub3A_16, %div3A : i32
    %c0_i32 = arith.constant 0 : i32
    %c0_i32_17 = arith.constant 0 : i32
    return %select_n3A, %c0_i32 : i32, i32
  }
  func.func @transform_4(%arg0: i32, %arg1: memref<1xi32, #tpu.memory_space<smem>>, %arg2: memref<1xi32, #tpu.memory_space<smem>>) -> (i32, i32) {
    %get3A = arith.constant 0 : index
    %get3A_0 = memref.load %arg2[%get3A] : memref<1xi32, #tpu.memory_space<smem>>
    %jit3A = arith.constant 8 : i32
    %div3A = arith.divsi %get3A_0, %jit3A : i32
    %sign3A = arith.constant 0 : i32
    %sign3A_1 = arith.cmpi sgt, %get3A_0, %sign3A : i32
    %sign3A_2 = arith.extui %sign3A_1 : i1 to i32
    %sign3A_3 = arith.constant 0 : i32
    %sign3A_4 = arith.cmpi slt, %get3A_0, %sign3A_3 : i32
    %sign3A_5 = arith.extui %sign3A_4 : i1 to i32
    %sign3A_6 = arith.subi %sign3A_2, %sign3A_5 : i32
    %sign3A_7 = arith.constant 0 : i32
    %sign3A_8 = arith.cmpi sgt, %jit3A, %sign3A_7 : i32
    %sign3A_9 = arith.extui %sign3A_8 : i1 to i32
    %sign3A_10 = arith.constant 0 : i32
    %sign3A_11 = arith.cmpi slt, %jit3A, %sign3A_10 : i32
    %sign3A_12 = arith.extui %sign3A_11 : i1 to i32
    %sign3A_13 = arith.subi %sign3A_9, %sign3A_12 : i32
    %ne3A = arith.cmpi ne, %sign3A_6, %sign3A_13 : i32
    %rem3A = arith.remsi %get3A_0, %jit3A : i32
    %ne3A_14 = arith.constant 0 : i32
    %ne3A_15 = arith.cmpi ne, %rem3A, %ne3A_14 : i32
    %and3A = arith.andi %ne3A, %ne3A_15 : i1
    %sub3A = arith.constant 1 : i32
    %sub3A_16 = arith.subi %div3A, %sub3A : i32
    %select_n3A = arith.select %and3A, %sub3A_16, %div3A : i32
    %c0_i32 = arith.constant 0 : i32
    %c0_i32_17 = arith.constant 0 : i32
    return %select_n3A, %c0_i32 : i32, i32
  }
  func.func @transform_5(%arg0: i32, %arg1: memref<1xi32, #tpu.memory_space<smem>>, %arg2: memref<1xi32, #tpu.memory_space<smem>>) -> (i32, i32) {
    %c0_i32 = arith.constant 0 : i32
    %c0_i32_0 = arith.constant 0 : i32
    %c0_i32_1 = arith.constant 0 : i32
    return %c0_i32, %c0_i32_0 : i32, i32
  }
  func.func @transform_6(%arg0: i32, %arg1: memref<1xi32, #tpu.memory_space<smem>>, %arg2: memref<1xi32, #tpu.memory_space<smem>>) -> (i32, i32) {
    %c0_i32 = arith.constant 0 : i32
    %c0_i32_0 = arith.constant 0 : i32
    %c0_i32_1 = arith.constant 0 : i32
    return %c0_i32, %c0_i32_0 : i32, i32
  }
  func.func @transform_7(%arg0: i32, %arg1: memref<1xi32, #tpu.memory_space<smem>>, %arg2: memref<1xi32, #tpu.memory_space<smem>>) -> (i32, i32) {
    %c0_i32 = arith.constant 0 : i32
    %c0_i32_0 = arith.constant 0 : i32
    %c0_i32_1 = arith.constant 0 : i32
    return %c0_i32, %c0_i32_0 : i32, i32
  }
  func.func @transform_8(%arg0: i32, %arg1: memref<1xi32, #tpu.memory_space<smem>>, %arg2: memref<1xi32, #tpu.memory_space<smem>>) -> (i32, i32) {
    %c0_i32 = arith.constant 0 : i32
    %c0_i32_0 = arith.constant 0 : i32
    %c0_i32_1 = arith.constant 0 : i32
    return %c0_i32, %c0_i32_0 : i32, i32
  }
  func.func @transform_9(%arg0: i32, %arg1: memref<1xi32, #tpu.memory_space<smem>>, %arg2: memref<1xi32, #tpu.memory_space<smem>>) -> (i32, i32) {
    %c0_i32 = arith.constant 0 : i32
    %c0_i32_0 = arith.constant 0 : i32
    %c0_i32_1 = arith.constant 0 : i32
    return %c0_i32, %c0_i32_0 : i32, i32
  }
  func.func @transform_10(%arg0: i32, %arg1: memref<1xi32, #tpu.memory_space<smem>>, %arg2: memref<1xi32, #tpu.memory_space<smem>>) -> (i32, i32) {
    %c0_i32 = arith.constant 0 : i32
    %c0_i32_0 = arith.constant 0 : i32
    %c0_i32_1 = arith.constant 0 : i32
    return %c0_i32, %c0_i32_0 : i32, i32
  }
  func.func @transform_11(%arg0: i32, %arg1: memref<1xi32, #tpu.memory_space<smem>>, %arg2: memref<1xi32, #tpu.memory_space<smem>>) -> (i32, i32) {
    %c0_i32 = arith.constant 0 : i32
    %c0_i32_0 = arith.constant 0 : i32
    %c0_i32_1 = arith.constant 0 : i32
    return %c0_i32, %c0_i32_0 : i32, i32
  }
  func.func @transform_12(%arg0: i32, %arg1: memref<1xi32, #tpu.memory_space<smem>>, %arg2: memref<1xi32, #tpu.memory_space<smem>>) -> (i32, i32) {
    %c0_i32 = arith.constant 0 : i32
    %c0_i32_0 = arith.constant 0 : i32
    %c0_i32_1 = arith.constant 0 : i32
    return %c0_i32, %c0_i32_0 : i32, i32
  }
  func.func @transform_13(%arg0: i32, %arg1: memref<1xi32, #tpu.memory_space<smem>>, %arg2: memref<1xi32, #tpu.memory_space<smem>>) -> (i32, i32) {
    %c0_i32 = arith.constant 0 : i32
    %c0_i32_0 = arith.constant 0 : i32
    %c0_i32_1 = arith.constant 0 : i32
    return %c0_i32, %c0_i32_0 : i32, i32
  }
  func.func @transform_14(%arg0: i32, %arg1: memref<1xi32, #tpu.memory_space<smem>>, %arg2: memref<1xi32, #tpu.memory_space<smem>>) -> (i32, i32) {
    %c0_i32 = arith.constant 0 : i32
    %c0_i32_0 = arith.constant 0 : i32
    %c0_i32_1 = arith.constant 0 : i32
    return %c0_i32, %c0_i32_0 : i32, i32
  }
  func.func @transform_15(%arg0: i32, %arg1: memref<1xi32, #tpu.memory_space<smem>>, %arg2: memref<1xi32, #tpu.memory_space<smem>>) -> (i32, i32) {
    %c0_i32 = arith.constant 0 : i32
    %c0_i32_0 = arith.constant 0 : i32
    %c0_i32_1 = arith.constant 0 : i32
    return %c0_i32, %c0_i32_0 : i32, i32
  }
}

</mosaic_0001>

<sc_bundles>
// kernel: kernel.4.cloned.1.call-start
scs
__scs_entry_jumppad:
0x0: {  	(pc) =	sbr.rel $0x88, $3  }
0x1: {  	(tag) =	ssettag $0x0;
	lr =	simm.s32 $0x1  }
0x2: {  	[smem:$0x3F8A] =	sst lr;
	_ =	strace $0xD0000000  }
0x3: {  	_ = 	snop  }
0x4: {  	_ = 	snop  }
0x5: {  	_ = 	snop  }
0x6: {  	_ = 	snop  }
0x7: {  	_ = 	snop  }
__scs_overlays_trampoline_lowered:
0x8: {  	[smem:$0x3F99] =	sst s0  }
0x9: {  	[smem:$0x3F9A] =	sst s1  }
0xa: {  	[smem:$0x3F9B] =	sst s2  }
0xb: {  	[smem:$0x3F9C] =	sst s3  }
0xc: {  	[smem:$0x3F9D] =	sst s4  }
0xd: {  	[smem:$0x3F9E] =	sst s5  }
0xe: {  	[smem:$0x3F9F] =	sst s6  }
0xf: {  	[smem:$0x3FA0] =	sst s7  }
0x10: {  	[smem:$0x3FA1] =	sst s8  }
0x11: {  	[smem:$0x3FA2] =	sst s9;
	s0 =	simm.s32 @!p0 $0x0  }
0x12: {  	s1 =	sld [smem:$0x3F88];
	s0 =	simm.s32 @p0 $0x1  }
0x13: {  	[smem:$0x3FA3] =	sst s0;
	s0 =	simm.s32 @!p1 $0x0  }
0x14: {  	s2 =	sld [smem:$0x3F87];
	s0 =	simm.s32 @p1 $0x1  }
0x15: {  	[smem:$0x3FA4] =	sst s0;
	s0 =	simm.s32 @!p2 $0x0  }
0x16: {  	s3 =	sld [smem:$0x3FDB];
	s0 =	simm.s32 @p2 $0x1  }
0x17: {  	s4 =	simm.s32 $0x1BF5;
	[smem:$0x3FA6] =	sst s0  }
0x18: {  	s0 =	sld [smem:$0x3F89];
	_ =	swait.ge [sflag:s4], $0x0  }
0x19: {  	s7 =	sld [smem:$0x3F8A]  }
0x1a: {  	s8 =	sadd.s32 $0xFFFFE003, lr  }
0x1b: {  	s9 =	sadd.s32 $0xFFFFFEF7, lr;
	s5 =	simm.s32 $0xFFFFFFFF;
	p2 =	slt.u32 s8, $0xFFFFF086  }
0x1c: {  	p1 =	slt.u32 s9, $0xF7A;
	s5 =	simm.s32 @!p2 $0x0  }
0x1d: {  	s5 =	simm.s32 @p1 $0x1;
	p0 =	seq.s32 s7, s2  }
0x1e: {  	s7 =	smul.u32 @!p0 $0xF7A, s2;
	p2 =	seq.s32 @!p0 s5, $0x0  }
0x1f: {  	s9 =	smul.u32 $0xF7A, s1;
	s8 =	simm.s32 @!p0 $0x1BF5;
	p2 =	por !p2, p0  }
0x20: {  	[sflag:s8] =	ssyncset.s32 @!p0 $0xFFFFF086;
	s6 =	sadd.s32 @!p0 s3, s7;
	s7 =	simm.s32 @!p0 $0x108  }
0x21: {  	s3 =	sadd.s32 s3, s9;
	s6 =	sadd.s32 @!p0 $0x88, s6;
	s7 =	simm.s32 @p2 $0x1082  }
0x22: {  	[simem:s7], [sflag:s8] =	dma.local @!p0 [hbm:s6], $0xF7A  }
0x23: {  	s9 =	sor.u32 $0xD0000000, s2;
	s6 =	simm.s32 $0x108;
	_ =	swait.ge @!p0 [sflag:s8], $0x0  }
0x24: {  	s3 =	sadd.s32 $0x88, s3;
	s6 =	simm.s32 @!p1 $0x1082;
	[sflag:s4] =	ssyncset.s32 $0xFFFFF086  }
0x25: {  	[simem:s6], [sflag:s4] =	dma.local [hbm:s3], $0xF7A  }
0x26: {  	[smem:$0x3F8A] =	sst s1;
	(tag) =	ssettag s2;
	_ =	strace s9  }
0x27: {  	s1 =	sld [smem:$0x3F9A]  }
0x28: {  	s2 =	sld [smem:$0x3F9B]  }
0x29: {  	s4 =	sld [smem:$0x3F9D]  }
0x2a: {  	p0 =	seq.s32 s5, $0x0;
	s5 =	sld [smem:$0x3F9E]  }
0x2b: {  	s6 =	sld [smem:$0x3F9F]  }
0x2c: {  	s7 =	sld [smem:$0x3FA0]  }
0x2d: {  	s3 =	simm.s32 $0x108;
	s8 =	sld [smem:$0x3FA1]  }
0x2e: {  	s3 =	simm.s32 @!p0 $0x1082;
	s9 =	sld [smem:$0x3FA2]  }
0x2f: {  	lr =	sadd.s32 s0, s3;
	s0 =	sld [smem:$0x3F99]  }
0x30: {  	s3 =	sld [smem:$0x3F9C]  }
0x31: {  	[smem:$0x3FA5] =	sst s10  }
0x32: {  	s10 =	sld [smem:$0x3FA3];
	_ =	sdelay $0x3  }
0x33: {  	p0 =	seq.s32 s10, $0x1;
	s10 =	sld [smem:$0x3FA5];
	_ =	sdelay $0x3  }
0x34: {  	[smem:$0x3FA5] =	sst s10  }
0x35: {  	s10 =	sld [smem:$0x3FA4];
	_ =	sdelay $0x3  }
0x36: {  	p1 =	seq.s32 s10, $0x1;
	s10 =	sld [smem:$0x3FA5];
	_ =	sdelay $0x3  }
0x37: {  	[smem:$0x3FA5] =	sst s10  }
0x38: {  	s10 =	sld [smem:$0x3FA6]  }
0x39: {  	_ = 	snop;
	(pc) =	sbr.ind lr, $3  }
0x3a: {  	_ = 	snop  }
0x3b: {  	_ = 	snop  }
0x3c: {  	p2 =	seq.s32 s10, $0x1;
	s10 =	sld [smem:$0x3FA5]  }
0x3d: {  	_ =	shalt  }
0x3e: {  	_ =	shalt  }
0x3f: {  	_ =	shalt  }
0x40: {  	_ =	shalt  }
0x41: {  	_ =	shalt  }
0x42: {  	_ =	shalt  }
0x43: {  	_ =	shalt  }
0x44: {  	_ =	shalt  }
0x45: {  	_ =	shalt  }
0x46: {  	_ =	shalt  }
0x47: {  	_ =	shalt  }
0x48: {  	_ =	shalt  }
0x49: {  	_ =	shalt  }
0x4a: {  	_ =	shalt  }
0x4b: {  	_ =	shalt  }
0x4c: {  	_ =	shalt  }
0x4d: {  	_ =	shalt  }
0x4e: {  	_ =	shalt  }
0x4f: {  	_ =	shalt  }
0x50: {  	_ =	shalt  }
0x51: {  	_ =	shalt  }
0x52: {  	_ =	shalt  }
0x53: {  	_ =	shalt  }
0x54: {  	_ =	shalt  }
0x55: {  	_ =	shalt  }
0x56: {  	_ =	shalt  }
0x57: {  	_ =	shalt  }
0x58: {  	_ =	shalt  }
0x59: {  	_ =	shalt  }
0x5a: {  	_ =	shalt  }
0x5b: {  	_ =	shalt  }
0x5c: {  	_ =	shalt  }
0x5d: {  	_ =	shalt  }
0x5e: {  	_ =	shalt  }
0x5f: {  	_ =	shalt  }
0x60: {  	_ =	shalt  }
0x61: {  	_ =	shalt  }
0x62: {  	_ =	shalt  }
0x63: {  	_ =	shalt  }
0x64: {  	_ =	shalt  }
0x65: {  	_ =	shalt  }
0x66: {  	_ =	shalt  }
0x67: {  	_ =	shalt  }
0x68: {  	_ =	shalt  }
0x69: {  	_ =	shalt  }
0x6a: {  	_ =	shalt  }
0x6b: {  	_ =	shalt  }
0x6c: {  	_ =	shalt  }
0x6d: {  	_ =	shalt  }
0x6e: {  	_ =	shalt  }
0x6f: {  	_ =	shalt  }
0x70: {  	_ =	shalt  }
0x71: {  	_ =	shalt  }
0x72: {  	_ =	shalt  }
0x73: {  	_ =	shalt  }
0x74: {  	_ =	shalt  }
0x75: {  	_ =	shalt  }
0x76: {  	_ =	shalt  }
0x77: {  	_ =	shalt  }
0x78: {  	_ =	shalt  }
0x79: {  	_ =	shalt  }
0x7a: {  	_ =	shalt  }
0x7b: {  	_ =	shalt  }
0x7c: {  	_ =	shalt  }
0x7d: {  	_ =	shalt  }
0x7e: {  	_ =	shalt  }
0x7f: {  	_ =	shalt  }
0x80: {  	_ =	shalt  }
0x81: {  	_ =	shalt  }
0x82: {  	_ =	shalt  }
0x83: {  	_ =	shalt  }
0x84: {  	_ =	shalt  }
0x85: {  	_ =	shalt  }
0x86: {  	_ =	shalt  }
0x87: {  	_ =	shalt  }
.Lfunc_end0:
.L_simem_size_0:
called_computation_lowered:
.L_overlay_start_0:
0x88: {  	s2 =	sld [smem:$0x3FD9]  }
0x89: {  	s3 =	sld [smem:$0x3FFE];
	_ =	sdelay $0x1  }
0x8a: {  	s1 =	srdreg.scid  }
0x8b: {  	s0 =	sand.u32 $0x1, s1  }
0x8c: {  	s14 =	sshll.u32 s0, $0xA;
	s2 =	sadd.s32 s3, s2  }
0x8d: {  	s2 =	sadd.s32 s2, s14  }
0x8e: {  	[smem:$0x3FB1] =	sst s2  }
0x8f: {  	_ = 	snop  }
0x90: {  	s2 =	sld [smem:$0x3FD0];
	_ =	sdelay $0x2  }
0x91: {  	s4 =	simm.s32 $0xA;
	s5 =	simm.s32 $0x10;
	s15 =	sld [smem:$0x3FC9]  }
0x92: {  	[smem:s5], [sflag:s4] =	dma.local [hbm:s2], $0x1  }
0x93: {  	_ =	swait.eq [sflag:s4], $0x1  }
0x94: {  	[sflag:s4] =	ssyncset.done $0x0  }
0x95: {  	[sflag:s4] =	ssyncadd.s32 $0xFFFFFFFF  }
0x96: {  	s16 =	sld [smem:$0x12];
	(tm) =	ssettm $0x1  }
0x97: {  	s17 =	sld [smem:$0x3FFB];
	_ =	sdelay $0x3  }
0x98: {  	_ =	strace s17  }
0x99: {  	s4 =	sld [smem:$0x3FFC];
	_ =	sdelay $0x3  }
0x9a: {  	_ =	strace s4  }
0x9b: {  	s4 =	sld [smem:$0x3FFD];
	_ =	sdelay $0x3  }
0x9c: {  	_ =	strace s4  }
0x9d: {  	_ =	strace $0x8FFFFFFF  }
0x9e: {  	s18 =	sld [smem:$0x3FDB];
	_ =	sdelay $0x1  }
0x9f: {  	s19 =	simm.s32 $_scs_section_size  }
0xa0: {  	s6 =	simm.s32 $_size__tile_overlayer_lowered;
	s7 =	simm.s32 $_tile_overlayer_lowered  }
0xa1: {  	s22 =	simm.s32 $0x1BFF;
	s21 =	sshll.u32 s7, $0x1;
	s4 =	sadd.s32 s19, s18  }
0xa2: {  	s8 =	simm.s32 $0x0;
	s20 =	sshll.u32 s6, $0x1;
	s6 =	sadd.s32 s21, s4  }
0xa3: {  	[timem:s8], [sflag:s22] =	dma.local [hbm:s6], s20  }
0xa4: {  	_ =	swait.ge [sflag:s22], s20  }
0xa5: {  	s5 =	ssub.s32 $0x0, s20;
	[sflag:s22] =	ssyncset.done $0x0  }
0xa6: {  	[sflag:s22] =	ssyncadd.s32 s5;
	_ =	sdelay $0x1  }
0xa7: {  	s23 =	simm.s32 $0x1B8B  }
0xa8: {  	_ =	swait.ge [sflag:s23], $0x1  }
0xa9: {  	[sflag:s23] =	ssyncset.done $0x0  }
0xaa: {  	s25 =	simm.s32 $0x1B8E;
	s24 =	sld [smem:$0x3FFE];
	[sflag:s23] =	ssyncadd.s32 $0xFFFFFFFF  }
0xab: {  	s26 =	simm.s32 $execute0_lowered;
	[smem:$0x3FD2] =	sst s25  }
0xac: {  	s6 =	sshll.u32 s26, $0x1;
	_ =	strace $0x80000046;
	[dreg:$0x1] =	wrdreg $0xFFFFFFFF  }
0xad: {  	s28 =	simm.s32 $_size_execute0_lowered;
	s4 =	sadd.s32 s4, s6;
	[dreg:$0x0] =	wrdreg $0x0  }
0xae: {  	s6 =	sshll.u32 s28, $0x1;
	[dreg:$0x2] =	wrdreg s4  }
0xaf: {  	[dreg:$0x3] =	wrdreg s6  }
0xb0: {  	[dreg:$0x4] =	wrdreg $0xC0  }
0xb1: {  	_ =	task [dreg:s8], $0x5FFFF  }
0xb2: {  	[dreg:$0x1] =	wrdreg $0xFFFFFFFF  }
0xb3: {  	[dreg:$0x0] =	wrdreg $0x60  }
0xb4: {  	[dreg:$0x2] =	wrdreg s24  }
0xb5: {  	[dreg:$0x3] =	wrdreg s15  }
0xb6: {  	[dreg:$0x4] =	wrdreg s16  }
0xb7: {  	[dreg:$0x5] =	wrdreg $0x9  }
0xb8: {  	_ =	task.clear_ibuf [dreg:s8], $0x6FFFF;
	_ =	strace $0x90000046  }
0xb9: {  	s29 =	simm.s32 $0x9;
	_ =	strace $0x80000048  }
0xba: {  	_ =	swait.ge [sflag:s29], $0x1  }
0xbb: {  	[sflag:s29] =	ssyncadd.s32 $0xFFFFFFFF  }
0xbc: {  	_ =	strace $0x90000048  }
0xbd: {  	_ =	sfence  }
0xbe: {  	s30 =	sld [smem:$0x0];
	_ =	sdelay $0x2  }
0xbf: {  	s31 =	sshll.u32 s1, $0xD;
	s1 =	sshrl.u32 s1, $0x2  }
0xc0: {  	s3 =	sand.u32 $0x4000, s31;
	s1 =	sadd.s32 s1, s30  }
0xc1: {  	s0 =	sor.u32 s3, s0;
	s1 =	sshll.u32 s1, $0x11  }
0xc2: {  	s0 =	sor.u32 s1, s0  }
0xc3: {  	s0 =	sadd.s32 $0x8F2B, s0  }
0xc4: {  	[sflag:s0] =	ssyncadd.remote.s32 $0x1  }
0xc5: {  	_ =	sfence.sel $0xFFFF  }
0xc6: {  	[dreg:$0x0] =	wrdreg $0xFFFFFFFF;
	(pc) =	sbr.abs _section_cstart, $3  }
0xc7: {  	[dreg:$0x1] =	wrdreg $0xFFFFFFFF  }
0xc8: {  	_ =	task.clear_ibuf [dreg:s8], $0x2FFFF;
	_ =	strace $0x9FFFFFFF  }
0xc9: {  	(tm) =	ssettm $0x7FFFFFFF  }
tec
execute0_lowered:
.L_overlay_start_1:
0x0: {  	(tag) =	ssettag $0x1  }
0x1: {  	s1 =	srdreg.scid  }
0x2: {  	s4 =	rddreg [dreg:$0x0];
	s0 =	stileid.u32;
	s6 =	sand.u32 $0x1, s1  }
0x3: {  	s2 =	rddreg [dreg:$0x1];
	s30 =	sshll.u32 s0, $0x4;
	s3 =	sshll.u32 s6, $0x3  }
0x4: {  	s9 =	rddreg [dreg:$0x2];
	s10 =	sor.u32 s3, s30  }
0x5: {  	s1 =	rddreg [dreg:$0x3];
	s3 =	simm.s32 $0x0;
	s5 =	sshrl.u32 s10, $0x3  }
0x6: {  	s11 =	ssub.s32 $0x2, s6;
	[smem:$0x7FF] =	sst s3;
	s4 =	sadd.s32 s5, s4  }
0x7: {  	_ =	strace $0x80000047;
	s5 =	sadd.s32 $0x2E00, s4;
	s4 =	simm.s32 $0x2  }
0x8: {  	[tilespmem:s3], [sflag:$0x2] =	stream.linear.gather [hbm4b:s5+s3], $0x8, $0x38;
	[tilespmem:$0x480] =	vst v63  }
0x9: {  	s7 =	simm.s32 $0x80;
	s12 =	sshrl.u32 s11, $0x1;
	_ =	swait.ge [sflag:s4], $0x8  }
0xa: {  	s8 =	simm.s32 $0x1;
	s11 =	ssub.s32 s11, s12;
	[sflag:s4] =	ssyncset.done $0x0  }
0xb: {  	s6 =	simm.s32 $0x8;
	s31 =	smax.u32 s11, $0x1;
	[sflag:s4] =	ssyncadd.s32 $0xFFFFFFF8  }
0xc: {  	[tilespmem:s7], [sflag:$0x1] =	stream.indirect.gather [hbm4b:s2+s6], $0x80, s3, s6, $0xb8;
	[tilespmem:$0x480] =	vst v63  }
0xd: {  	p0 =	sne.s32 s31, $0x1;
	_ =	swait.ge [sflag:s8], $0x400  }
.Ltmp0:
0xe: {  	s10 =	sshll.u32 s10, $0x4;
	[sflag:s8] =	ssyncset.done $0x0;
	(pc) =	sbr.rel @!p0 .LBB2_2-.Ltmp0, $4  }
0xf: {  	s9 =	sadd.s32 s9, s10;
	[sflag:s8] =	ssyncadd.s32 $0xFFFFFC00  }
0x10: {  	[hbm4b:s9+s3] =	stream.linear.scatter [tilespmem:s7], [sflag:$0x2], $0x400, $0x38;
	[tilespmem:$0x480] =	vst v63  }
0x11: {  	_ =	swait.ge [sflag:s4], $0x400  }
0x12: {  	s10 =	sadd.s32 $0xFFFFFFFF, s31;
	[sflag:s4] =	ssyncset.done $0x0  }
.LBB2_1:
0x13: {  	p0 =	sne.s32 s10, $0x1;
	s10 =	sadd.s32 $0xFFFFFFFF, s10;
	[sflag:s4] =	ssyncadd.s32 $0xFFFFFC00  }
0x14: {  	[tilespmem:s3], [sflag:$0x2] =	stream.linear.gather [hbm4b:s5+s3], $0x8, $0x38;
	[tilespmem:$0x480] =	vst v63  }
0x15: {  	_ =	swait.ge [sflag:s4], $0x8  }
0x16: {  	[sflag:s4] =	ssyncset.done $0x0  }
0x17: {  	[sflag:s4] =	ssyncadd.s32 $0xFFFFFFF8  }
0x18: {  	[tilespmem:s7], [sflag:$0x1] =	stream.indirect.gather [hbm4b:s2+s6], $0x80, s3, s6, $0xb8;
	[tilespmem:$0x480] =	vst v63  }
0x19: {  	_ =	swait.ge [sflag:s8], $0x400  }
.Ltmp1:
0x1a: {  	[sflag:s8] =	ssyncset.done $0x0;
	(pc) =	sbr.rel @p0 .LBB2_1-.Ltmp1, $4  }
0x1b: {  	[sflag:s8] =	ssyncadd.s32 $0xFFFFFC00  }
0x1c: {  	[hbm4b:s9+s3] =	stream.linear.scatter [tilespmem:s7], [sflag:$0x2], $0x400, $0x38;
	[tilespmem:$0x480] =	vst v63  }
0x1d: {  	_ =	swait.ge [sflag:s4], $0x400  }
0x1e: {  	[sflag:s4] =	ssyncset.done $0x0  }
.LBB2_2:
0x1f: {  	[sflag:s4] =	ssyncadd.s32 $0xFFFFFC00  }
0x20: {  	_ =	sfence.sel $0x180000  }
0x21: {  	[bflag:$0x0] =	sbarrier.arrive $0xFFFF  }
0x22: {  	p0 =	sne.s32 s0, $0x0;
	_ =	strace $0x90000047  }
0x23: {  	s0 =	sadd.s32 @!p0 $0x100000, s1;
	[bflag:$0x2] =	sbarrier.arrive $0xFFFF  }
0x24: {  	[sflag:s0] =	ssyncadd.tile.s32 @!p0 $0x1;
	_ =	shalt  }
.Lfunc_end2:
_tile_overlayer_lowered:
.L_overlay_start_2:
0x25: {  	(tag) =	ssettag $0x2  }
0x26: {  	s0 =	rddreg [dreg:$0x0];
	s2 =	stileid.u32  }
0x27: {  	s1 =	rddreg [dreg:$0x1];
	p0 =	sne.s32 s2, $0x0  }
0x28: {  	s3 =	rddreg [dreg:$0x2];
	[bflag:$0x3] =	sbarrier.arrive $0xFFFF;
	s2 =	simm.s32 @!p0 $0x1C02  }
0x29: {  	[timem:s3], [sflag:s2] =	dma.local @!p0 [hbm:s0], s1  }
0x2a: {  	s0 =	simm.s32 @!p0 $0x2  }
0x2b: {  	_ =	swait.ge @!p0 [sflag:s0], s1  }
0x2c: {  	s1 =	ssub.s32 @!p0 $0x0, s1;
	[sflag:s0] =	ssyncset.done @!p0 $0x0  }
0x2d: {  	[sflag:s0] =	ssyncadd.s32 @!p0 s1  }
0x2e: {  	[bflag:$0x3] =	sbarrier.arrive $0xFFFF  }
0x2f: {  	_ =	shalt  }

</sc_bundles>
